<compile_context>
chip_gen: v7x
topology: tpu7x:2x2x1
jax: 0.10.2.dev20260603
libtpu: 0.0.44.dev20260713+nightly
codegen_flags: <defaults>
</compile_context>

<pallas_src>
import functools

import jax
import jax.numpy as jnp
from jax.experimental import pallas as pl
from jax.experimental.pallas import tpu as pltpu
from jax.experimental.pallas import tpu_sc as plsc

_NNZ = 5
_ROWS = 3
_COLS = 4

_MESH = plsc.ScalarSubcoreMesh(axis_name="c", num_cores=1)


@functools.partial(
    pl.kernel,
    out_type=jax.ShapeDtypeStruct((_ROWS,), jnp.float32),
    mesh=_MESH,
    compiler_params=pltpu.CompilerParams(
        needs_layout_passes=False,
        skip_device_barrier=True,
        disable_bounds_checks=True,
        disable_semaphore_checks=True,
    ),
    scratch_types=[
        pltpu.SMEM((_COLS,), jnp.float32),
        pltpu.SMEM((_NNZ,), jnp.float32),
        pltpu.SMEM((2, _NNZ), jnp.int32),
        pltpu.SMEM((_ROWS,), jnp.float32),
        pltpu.SemaphoreType.DMA,
        pltpu.SemaphoreType.DMA,
        pltpu.SemaphoreType.DMA,
    ],
)
def _spmv_scs(x_hbm, v_hbm, ij_hbm, out_hbm, x_s, v_s, ij_s, o_s, s0, s1, s2):
    cp_x = pltpu.async_copy(x_hbm, x_s, s0)
    cp_v = pltpu.async_copy(v_hbm, v_s, s1)
    cp_ij = pltpu.async_copy(ij_hbm, ij_s, s2)
    for r in range(_ROWS):
        o_s[r] = jnp.float32(0.0)
    cp_x.wait()
    cp_v.wait()
    cp_ij.wait()
    for k in range(_NNZ):
        i = ij_s[0, k]
        j = ij_s[1, k]
        o_s[i] = o_s[i] + v_s[k] * x_s[j]
    pltpu.sync_copy(o_s, out_hbm)


def kernel(x, values, indices):
    out = _spmv_scs(x, values, indices.astype(jnp.int32))
    return out[:, None]

# --- scband reference (transcript-rebuilt; emitter-appended) ---
"""Pipeline reference for scband-sparse-layer-5720896438710 (READ-ONLY COPY).

The authoritative reference and input builder live on the scoring server;
editing this copy changes nothing except your own understanding.
"""

import jax, jax.numpy as jnp
import numpy as np


def setup_inputs(seed: int = 0) -> dict:
    key = jax.random.key(seed)
    kx, = jax.random.split(key, 1)
    x = jax.random.normal(kx, (4,), dtype=jnp.float32)
    # Hardcoded sparse layer parameters from __init__
    indices = jnp.array([[0, 1, 2, 0, 2], [0, 1, 2, 3, 3]], dtype=jnp.int64)
    values = jnp.array([0.1, 0.1, 0.1, 0.1, 0.1], dtype=jnp.float32)
    return {"x": x, "values": values, "indices": indices}


def reference(x, values, indices):
    # sparse [3,4] matrix (COO: indices, values) times dense vector x[4] -> [3,1]
    i_ixs = indices[0, :]
    j_ixs = indices[1, :]
    contrib = values * jnp.take(x, j_ixs)
    out = jnp.zeros((3,), dtype=x.dtype).at[i_ixs].add(contrib)
    return out[:, None]

if __name__ == "__main__":
    import jax
    _d = setup_inputs()
    print(jax.jit(kernel)(*tuple(_d.values())))

</pallas_src>

<mosaic_0001>
#map = affine_map<(d0) -> (0)>
#map1 = affine_map<(d0) -> (0, 0)>
module attributes {stable_mosaic.version = 14 : i64} {
  func.func @_spmv_scs(%arg0: i32, %arg1: memref<4xf32, #tpu.memory_space<hbm>>, %arg2: memref<5xf32, #tpu.memory_space<hbm>>, %arg3: memref<2x5xi32, #tpu.memory_space<hbm>>, %arg4: memref<3xf32, #tpu.memory_space<hbm>>, %arg5: memref<4xf32, #tpu.memory_space<smem>>, %arg6: memref<5xf32, #tpu.memory_space<smem>>, %arg7: memref<2x5xi32, #tpu.memory_space<smem>>, %arg8: memref<3xf32, #tpu.memory_space<smem>>, %arg9: memref<!tpu.dma_semaphore, #tpu.memory_space<semaphore_mem>>, %arg10: memref<!tpu.dma_semaphore, #tpu.memory_space<semaphore_mem>>, %arg11: memref<!tpu.dma_semaphore, #tpu.memory_space<semaphore_mem>>) attributes {dimension_semantics = [#tpu.dimension_semantics<core_parallel>], iteration_bounds = array<i64: 1>, scalar_prefetch = 0 : i64, scratch_operands = 7 : i64, tpu.core_type = #tpu.core_type<sc_scalar_subcore>, window_params = [{transform_indices = #map}, {transform_indices = #map}, {transform_indices = #map1}, {transform_indices = #map}]} {
    tpu.enqueue_dma source(%arg1 : memref<4xf32, #tpu.memory_space<hbm>>) target(%arg5 : memref<4xf32, #tpu.memory_space<smem>>) target_semaphore(%arg9 : memref<!tpu.dma_semaphore, #tpu.memory_space<semaphore_mem>>)
    tpu.enqueue_dma source(%arg2 : memref<5xf32, #tpu.memory_space<hbm>>) target(%arg6 : memref<5xf32, #tpu.memory_space<smem>>) target_semaphore(%arg10 : memref<!tpu.dma_semaphore, #tpu.memory_space<semaphore_mem>>)
    tpu.enqueue_dma source(%arg3 : memref<2x5xi32, #tpu.memory_space<hbm>>) target(%arg7 : memref<2x5xi32, #tpu.memory_space<smem>>) target_semaphore(%arg11 : memref<!tpu.dma_semaphore, #tpu.memory_space<semaphore_mem>>)
    %swap3A = arith.constant 0.000000e+00 : f32
    %swap3A_0 = arith.constant 0 : i32
    %swap3A_1 = arith.index_cast %swap3A_0 : i32 to index
    %swap3A_2 = memref.load %arg8[%swap3A_1] : memref<3xf32, #tpu.memory_space<smem>>
    memref.store %swap3A, %arg8[%swap3A_1] : memref<3xf32, #tpu.memory_space<smem>>
    %swap3A_3 = arith.constant 0.000000e+00 : f32
    %swap3A_4 = arith.constant 1 : i32
    %swap3A_5 = arith.index_cast %swap3A_4 : i32 to index
    %swap3A_6 = memref.load %arg8[%swap3A_5] : memref<3xf32, #tpu.memory_space<smem>>
    memref.store %swap3A_3, %arg8[%swap3A_5] : memref<3xf32, #tpu.memory_space<smem>>
    %swap3A_7 = arith.constant 0.000000e+00 : f32
    %swap3A_8 = arith.constant 2 : i32
    %swap3A_9 = arith.index_cast %swap3A_8 : i32 to index
    %swap3A_10 = memref.load %arg8[%swap3A_9] : memref<3xf32, #tpu.memory_space<smem>>
    memref.store %swap3A_7, %arg8[%swap3A_9] : memref<3xf32, #tpu.memory_space<smem>>
    tpu.wait_dma2 semaphore(%arg9 : memref<!tpu.dma_semaphore, #tpu.memory_space<semaphore_mem>>) src(%arg1 : memref<4xf32, #tpu.memory_space<hbm>>) dst(%arg5 : memref<4xf32, #tpu.memory_space<smem>>)
    tpu.wait_dma2 semaphore(%arg10 : memref<!tpu.dma_semaphore, #tpu.memory_space<semaphore_mem>>) src(%arg2 : memref<5xf32, #tpu.memory_space<hbm>>) dst(%arg6 : memref<5xf32, #tpu.memory_space<smem>>)
    tpu.wait_dma2 semaphore(%arg11 : memref<!tpu.dma_semaphore, #tpu.memory_space<semaphore_mem>>) src(%arg3 : memref<2x5xi32, #tpu.memory_space<hbm>>) dst(%arg7 : memref<2x5xi32, #tpu.memory_space<smem>>)
    %get3A = arith.constant 0 : i32
    %get3A_11 = arith.constant 0 : i32
    %get3A_12 = arith.index_cast %get3A : i32 to index
    %get3A_13 = arith.index_cast %get3A_11 : i32 to index
    %get3A_14 = memref.load %arg7[%get3A_12, %get3A_13] : memref<2x5xi32, #tpu.memory_space<smem>>
    %get3A_15 = arith.constant 1 : i32
    %get3A_16 = arith.constant 0 : i32
    %get3A_17 = arith.index_cast %get3A_15 : i32 to index
    %get3A_18 = arith.index_cast %get3A_16 : i32 to index
    %get3A_19 = memref.load %arg7[%get3A_17, %get3A_18] : memref<2x5xi32, #tpu.memory_space<smem>>
    %get3A_20 = arith.index_cast %get3A_14 : i32 to index
    %get3A_21 = memref.load %arg8[%get3A_20] : memref<3xf32, #tpu.memory_space<smem>>
    %get3A_22 = arith.constant 0 : i32
    %get3A_23 = arith.index_cast %get3A_22 : i32 to index
    %get3A_24 = memref.load %arg6[%get3A_23] : memref<5xf32, #tpu.memory_space<smem>>
    %get3A_25 = arith.index_cast %get3A_19 : i32 to index
    %get3A_26 = memref.load %arg5[%get3A_25] : memref<4xf32, #tpu.memory_space<smem>>
    %mul3A = arith.mulf %get3A_24, %get3A_26 : f32
    %add3A = arith.addf %get3A_21, %mul3A : f32
    %swap3A_27 = arith.index_cast %get3A_14 : i32 to index
    %swap3A_28 = memref.load %arg8[%swap3A_27] : memref<3xf32, #tpu.memory_space<smem>>
    memref.store %add3A, %arg8[%swap3A_27] : memref<3xf32, #tpu.memory_space<smem>>
    %get3A_29 = arith.constant 0 : i32
    %get3A_30 = arith.constant 1 : i32
    %get3A_31 = arith.index_cast %get3A_29 : i32 to index
    %get3A_32 = arith.index_cast %get3A_30 : i32 to index
    %get3A_33 = memref.load %arg7[%get3A_31, %get3A_32] : memref<2x5xi32, #tpu.memory_space<smem>>
    %get3A_34 = arith.constant 1 : i32
    %get3A_35 = arith.constant 1 : i32
    %get3A_36 = arith.index_cast %get3A_34 : i32 to index
    %get3A_37 = arith.index_cast %get3A_35 : i32 to index
    %get3A_38 = memref.load %arg7[%get3A_36, %get3A_37] : memref<2x5xi32, #tpu.memory_space<smem>>
    %get3A_39 = arith.index_cast %get3A_33 : i32 to index
    %get3A_40 = memref.load %arg8[%get3A_39] : memref<3xf32, #tpu.memory_space<smem>>
    %get3A_41 = arith.constant 1 : i32
    %get3A_42 = arith.index_cast %get3A_41 : i32 to index
    %get3A_43 = memref.load %arg6[%get3A_42] : memref<5xf32, #tpu.memory_space<smem>>
    %get3A_44 = arith.index_cast %get3A_38 : i32 to index
    %get3A_45 = memref.load %arg5[%get3A_44] : memref<4xf32, #tpu.memory_space<smem>>
    %mul3A_46 = arith.mulf %get3A_43, %get3A_45 : f32
    %add3A_47 = arith.addf %get3A_40, %mul3A_46 : f32
    %swap3A_48 = arith.index_cast %get3A_33 : i32 to index
    %swap3A_49 = memref.load %arg8[%swap3A_48] : memref<3xf32, #tpu.memory_space<smem>>
    memref.store %add3A_47, %arg8[%swap3A_48] : memref<3xf32, #tpu.memory_space<smem>>
    %get3A_50 = arith.constant 0 : i32
    %get3A_51 = arith.constant 2 : i32
    %get3A_52 = arith.index_cast %get3A_50 : i32 to index
    %get3A_53 = arith.index_cast %get3A_51 : i32 to index
    %get3A_54 = memref.load %arg7[%get3A_52, %get3A_53] : memref<2x5xi32, #tpu.memory_space<smem>>
    %get3A_55 = arith.constant 1 : i32
    %get3A_56 = arith.constant 2 : i32
    %get3A_57 = arith.index_cast %get3A_55 : i32 to index
    %get3A_58 = arith.index_cast %get3A_56 : i32 to index
    %get3A_59 = memref.load %arg7[%get3A_57, %get3A_58] : memref<2x5xi32, #tpu.memory_space<smem>>
    %get3A_60 = arith.index_cast %get3A_54 : i32 to index
    %get3A_61 = memref.load %arg8[%get3A_60] : memref<3xf32, #tpu.memory_space<smem>>
    %get3A_62 = arith.constant 2 : i32
    %get3A_63 = arith.index_cast %get3A_62 : i32 to index
    %get3A_64 = memref.load %arg6[%get3A_63] : memref<5xf32, #tpu.memory_space<smem>>
    %get3A_65 = arith.index_cast %get3A_59 : i32 to index
    %get3A_66 = memref.load %arg5[%get3A_65] : memref<4xf32, #tpu.memory_space<smem>>
    %mul3A_67 = arith.mulf %get3A_64, %get3A_66 : f32
    %add3A_68 = arith.addf %get3A_61, %mul3A_67 : f32
    %swap3A_69 = arith.index_cast %get3A_54 : i32 to index
    %swap3A_70 = memref.load %arg8[%swap3A_69] : memref<3xf32, #tpu.memory_space<smem>>
    memref.store %add3A_68, %arg8[%swap3A_69] : memref<3xf32, #tpu.memory_space<smem>>
    %get3A_71 = arith.constant 0 : i32
    %get3A_72 = arith.constant 3 : i32
    %get3A_73 = arith.index_cast %get3A_71 : i32 to index
    %get3A_74 = arith.index_cast %get3A_72 : i32 to index
    %get3A_75 = memref.load %arg7[%get3A_73, %get3A_74] : memref<2x5xi32, #tpu.memory_space<smem>>
    %get3A_76 = arith.constant 1 : i32
    %get3A_77 = arith.constant 3 : i32
    %get3A_78 = arith.index_cast %get3A_76 : i32 to index
    %get3A_79 = arith.index_cast %get3A_77 : i32 to index
    %get3A_80 = memref.load %arg7[%get3A_78, %get3A_79] : memref<2x5xi32, #tpu.memory_space<smem>>
    %get3A_81 = arith.index_cast %get3A_75 : i32 to index
    %get3A_82 = memref.load %arg8[%get3A_81] : memref<3xf32, #tpu.memory_space<smem>>
    %get3A_83 = arith.constant 3 : i32
    %get3A_84 = arith.index_cast %get3A_83 : i32 to index
    %get3A_85 = memref.load %arg6[%get3A_84] : memref<5xf32, #tpu.memory_space<smem>>
    %get3A_86 = arith.index_cast %get3A_80 : i32 to index
    %get3A_87 = memref.load %arg5[%get3A_86] : memref<4xf32, #tpu.memory_space<smem>>
    %mul3A_88 = arith.mulf %get3A_85, %get3A_87 : f32
    %add3A_89 = arith.addf %get3A_82, %mul3A_88 : f32
    %swap3A_90 = arith.index_cast %get3A_75 : i32 to index
    %swap3A_91 = memref.load %arg8[%swap3A_90] : memref<3xf32, #tpu.memory_space<smem>>
    memref.store %add3A_89, %arg8[%swap3A_90] : memref<3xf32, #tpu.memory_space<smem>>
    %get3A_92 = arith.constant 0 : i32
    %get3A_93 = arith.constant 4 : i32
    %get3A_94 = arith.index_cast %get3A_92 : i32 to index
    %get3A_95 = arith.index_cast %get3A_93 : i32 to index
    %get3A_96 = memref.load %arg7[%get3A_94, %get3A_95] : memref<2x5xi32, #tpu.memory_space<smem>>
    %get3A_97 = arith.constant 1 : i32
    %get3A_98 = arith.constant 4 : i32
    %get3A_99 = arith.index_cast %get3A_97 : i32 to index
    %get3A_100 = arith.index_cast %get3A_98 : i32 to index
    %get3A_101 = memref.load %arg7[%get3A_99, %get3A_100] : memref<2x5xi32, #tpu.memory_space<smem>>
    %get3A_102 = arith.index_cast %get3A_96 : i32 to index
    %get3A_103 = memref.load %arg8[%get3A_102] : memref<3xf32, #tpu.memory_space<smem>>
    %get3A_104 = arith.constant 4 : i32
    %get3A_105 = arith.index_cast %get3A_104 : i32 to index
    %get3A_106 = memref.load %arg6[%get3A_105] : memref<5xf32, #tpu.memory_space<smem>>
    %get3A_107 = arith.index_cast %get3A_101 : i32 to index
    %get3A_108 = memref.load %arg5[%get3A_107] : memref<4xf32, #tpu.memory_space<smem>>
    %mul3A_109 = arith.mulf %get3A_106, %get3A_108 : f32
    %add3A_110 = arith.addf %get3A_103, %mul3A_109 : f32
    %swap3A_111 = arith.index_cast %get3A_96 : i32 to index
    %swap3A_112 = memref.load %arg8[%swap3A_111] : memref<3xf32, #tpu.memory_space<smem>>
    memref.store %add3A_110, %arg8[%swap3A_111] : memref<3xf32, #tpu.memory_space<smem>>
    "tpu.region"() ({
      %run_scoped3A = tpu.sem_alloc : memref<!tpu.dma_semaphore, #tpu.memory_space<semaphore_mem>>
      tpu.enqueue_dma source(%arg8 : memref<3xf32, #tpu.memory_space<smem>>) target(%arg4 : memref<3xf32, #tpu.memory_space<hbm>>) target_semaphore(%run_scoped3A : memref<!tpu.dma_semaphore, #tpu.memory_space<semaphore_mem>>)
      tpu.wait_dma2 semaphore(%run_scoped3A : memref<!tpu.dma_semaphore, #tpu.memory_space<semaphore_mem>>) src(%arg8 : memref<3xf32, #tpu.memory_space<smem>>) dst(%arg4 : memref<3xf32, #tpu.memory_space<hbm>>)
      tpu.yield
    }) : () -> ()
    return
  }
}

</mosaic_0001>

<sc_bundles>
// kernel: kernel.3.cloned.1.call-start
scs
__scs_entry_jumppad:
0x0: {  	(pc) =	sbr.rel $0x88, $3  }
0x1: {  	(tag) =	ssettag $0x0;
	lr =	simm.s32 $0x1  }
0x2: {  	[smem:$0x3F9E] =	sst lr;
	_ =	strace $0xD0000000  }
0x3: {  	_ = 	snop  }
0x4: {  	_ = 	snop  }
0x5: {  	_ = 	snop  }
0x6: {  	_ = 	snop  }
0x7: {  	_ = 	snop  }
__scs_overlays_trampoline_lowered:
0x8: {  	[smem:$0x3FAD] =	sst s0  }
0x9: {  	[smem:$0x3FAE] =	sst s1  }
0xa: {  	[smem:$0x3FAF] =	sst s2  }
0xb: {  	[smem:$0x3FB0] =	sst s3  }
0xc: {  	[smem:$0x3FB1] =	sst s4  }
0xd: {  	[smem:$0x3FB2] =	sst s5  }
0xe: {  	[smem:$0x3FB3] =	sst s6  }
0xf: {  	[smem:$0x3FB4] =	sst s7  }
0x10: {  	[smem:$0x3FB5] =	sst s8  }
0x11: {  	[smem:$0x3FB6] =	sst s9;
	s0 =	simm.s32 @!p0 $0x0  }
0x12: {  	s1 =	sld [smem:$0x3F9C];
	s0 =	simm.s32 @p0 $0x1  }
0x13: {  	[smem:$0x3FB7] =	sst s0;
	s0 =	simm.s32 @!p1 $0x0  }
0x14: {  	s2 =	sld [smem:$0x3F9B];
	s0 =	simm.s32 @p1 $0x1  }
0x15: {  	[smem:$0x3FB8] =	sst s0;
	s0 =	simm.s32 @!p2 $0x0  }
0x16: {  	s3 =	sld [smem:$0x3FDB];
	s0 =	simm.s32 @p2 $0x1  }
0x17: {  	s4 =	simm.s32 $0x1BF5;
	[smem:$0x3FBA] =	sst s0  }
0x18: {  	s0 =	sld [smem:$0x3F9D];
	_ =	swait.ge [sflag:s4], $0x0  }
0x19: {  	s7 =	sld [smem:$0x3F9E]  }
0x1a: {  	s8 =	sadd.s32 $0xFFFFE003, lr  }
0x1b: {  	s9 =	sadd.s32 $0xFFFFFEF7, lr;
	s5 =	simm.s32 $0xFFFFFFFF;
	p2 =	slt.u32 s8, $0xFFFFF086  }
0x1c: {  	p1 =	slt.u32 s9, $0xF7A;
	s5 =	simm.s32 @!p2 $0x0  }
0x1d: {  	s5 =	simm.s32 @p1 $0x1;
	p0 =	seq.s32 s7, s2  }
0x1e: {  	s7 =	smul.u32 @!p0 $0xF7A, s2;
	p2 =	seq.s32 @!p0 s5, $0x0  }
0x1f: {  	s9 =	smul.u32 $0xF7A, s1;
	s8 =	simm.s32 @!p0 $0x1BF5;
	p2 =	por !p2, p0  }
0x20: {  	[sflag:s8] =	ssyncset.s32 @!p0 $0xFFFFF086;
	s6 =	sadd.s32 @!p0 s3, s7;
	s7 =	simm.s32 @!p0 $0x108  }
0x21: {  	s3 =	sadd.s32 s3, s9;
	s6 =	sadd.s32 @!p0 $0x88, s6;
	s7 =	simm.s32 @p2 $0x1082  }
0x22: {  	[simem:s7], [sflag:s8] =	dma.local @!p0 [hbm:s6], $0xF7A  }
0x23: {  	s9 =	sor.u32 $0xD0000000, s2;
	s6 =	simm.s32 $0x108;
	_ =	swait.ge @!p0 [sflag:s8], $0x0  }
0x24: {  	s3 =	sadd.s32 $0x88, s3;
	s6 =	simm.s32 @!p1 $0x1082;
	[sflag:s4] =	ssyncset.s32 $0xFFFFF086  }
0x25: {  	[simem:s6], [sflag:s4] =	dma.local [hbm:s3], $0xF7A  }
0x26: {  	[smem:$0x3F9E] =	sst s1;
	(tag) =	ssettag s2;
	_ =	strace s9  }
0x27: {  	s1 =	sld [smem:$0x3FAE]  }
0x28: {  	s2 =	sld [smem:$0x3FAF]  }
0x29: {  	s4 =	sld [smem:$0x3FB1]  }
0x2a: {  	p0 =	seq.s32 s5, $0x0;
	s5 =	sld [smem:$0x3FB2]  }
0x2b: {  	s6 =	sld [smem:$0x3FB3]  }
0x2c: {  	s7 =	sld [smem:$0x3FB4]  }
0x2d: {  	s3 =	simm.s32 $0x108;
	s8 =	sld [smem:$0x3FB5]  }
0x2e: {  	s3 =	simm.s32 @!p0 $0x1082;
	s9 =	sld [smem:$0x3FB6]  }
0x2f: {  	lr =	sadd.s32 s0, s3;
	s0 =	sld [smem:$0x3FAD]  }
0x30: {  	s3 =	sld [smem:$0x3FB0]  }
0x31: {  	[smem:$0x3FB9] =	sst s10  }
0x32: {  	s10 =	sld [smem:$0x3FB7];
	_ =	sdelay $0x3  }
0x33: {  	p0 =	seq.s32 s10, $0x1;
	s10 =	sld [smem:$0x3FB9];
	_ =	sdelay $0x3  }
0x34: {  	[smem:$0x3FB9] =	sst s10  }
0x35: {  	s10 =	sld [smem:$0x3FB8];
	_ =	sdelay $0x3  }
0x36: {  	p1 =	seq.s32 s10, $0x1;
	s10 =	sld [smem:$0x3FB9];
	_ =	sdelay $0x3  }
0x37: {  	[smem:$0x3FB9] =	sst s10  }
0x38: {  	s10 =	sld [smem:$0x3FBA]  }
0x39: {  	_ = 	snop;
	(pc) =	sbr.ind lr, $3  }
0x3a: {  	_ = 	snop  }
0x3b: {  	_ = 	snop  }
0x3c: {  	p2 =	seq.s32 s10, $0x1;
	s10 =	sld [smem:$0x3FB9]  }
0x3d: {  	_ =	shalt  }
0x3e: {  	_ =	shalt  }
0x3f: {  	_ =	shalt  }
0x40: {  	_ =	shalt  }
0x41: {  	_ =	shalt  }
0x42: {  	_ =	shalt  }
0x43: {  	_ =	shalt  }
0x44: {  	_ =	shalt  }
0x45: {  	_ =	shalt  }
0x46: {  	_ =	shalt  }
0x47: {  	_ =	shalt  }
0x48: {  	_ =	shalt  }
0x49: {  	_ =	shalt  }
0x4a: {  	_ =	shalt  }
0x4b: {  	_ =	shalt  }
0x4c: {  	_ =	shalt  }
0x4d: {  	_ =	shalt  }
0x4e: {  	_ =	shalt  }
0x4f: {  	_ =	shalt  }
0x50: {  	_ =	shalt  }
0x51: {  	_ =	shalt  }
0x52: {  	_ =	shalt  }
0x53: {  	_ =	shalt  }
0x54: {  	_ =	shalt  }
0x55: {  	_ =	shalt  }
0x56: {  	_ =	shalt  }
0x57: {  	_ =	shalt  }
0x58: {  	_ =	shalt  }
0x59: {  	_ =	shalt  }
0x5a: {  	_ =	shalt  }
0x5b: {  	_ =	shalt  }
0x5c: {  	_ =	shalt  }
0x5d: {  	_ =	shalt  }
0x5e: {  	_ =	shalt  }
0x5f: {  	_ =	shalt  }
0x60: {  	_ =	shalt  }
0x61: {  	_ =	shalt  }
0x62: {  	_ =	shalt  }
0x63: {  	_ =	shalt  }
0x64: {  	_ =	shalt  }
0x65: {  	_ =	shalt  }
0x66: {  	_ =	shalt  }
0x67: {  	_ =	shalt  }
0x68: {  	_ =	shalt  }
0x69: {  	_ =	shalt  }
0x6a: {  	_ =	shalt  }
0x6b: {  	_ =	shalt  }
0x6c: {  	_ =	shalt  }
0x6d: {  	_ =	shalt  }
0x6e: {  	_ =	shalt  }
0x6f: {  	_ =	shalt  }
0x70: {  	_ =	shalt  }
0x71: {  	_ =	shalt  }
0x72: {  	_ =	shalt  }
0x73: {  	_ =	shalt  }
0x74: {  	_ =	shalt  }
0x75: {  	_ =	shalt  }
0x76: {  	_ =	shalt  }
0x77: {  	_ =	shalt  }
0x78: {  	_ =	shalt  }
0x79: {  	_ =	shalt  }
0x7a: {  	_ =	shalt  }
0x7b: {  	_ =	shalt  }
0x7c: {  	_ =	shalt  }
0x7d: {  	_ =	shalt  }
0x7e: {  	_ =	shalt  }
0x7f: {  	_ =	shalt  }
0x80: {  	_ =	shalt  }
0x81: {  	_ =	shalt  }
0x82: {  	_ =	shalt  }
0x83: {  	_ =	shalt  }
0x84: {  	_ =	shalt  }
0x85: {  	_ =	shalt  }
0x86: {  	_ =	shalt  }
0x87: {  	_ =	shalt  }
.Lfunc_end0:
.L_simem_size_0:
called_computation_lowered:
.L_overlay_start_0:
0x88: {  	s0 =	sld [smem:$0x3FD9]  }
0x89: {  	s1 =	sld [smem:$0x3FFE];
	_ =	sdelay $0x3  }
0x8a: {  	s0 =	sadd.s32 s1, s0  }
0x8b: {  	[smem:$0x3FC5] =	sst s0  }
0x8c: {  	_ = 	snop  }
0x8d: {  	s31 =	sld [smem:$0x3FC9]  }
0x8e: {  	s2 =	sld [smem:$0x3FC8]  }
0x8f: {  	s3 =	sld [smem:$0x3FC7]  }
0x90: {  	s0 =	sld [smem:$0x3FD0];
	(tm) =	ssettm $0x1  }
0x91: {  	s4 =	sld [smem:$0x3FFB];
	_ =	sdelay $0x3  }
0x92: {  	_ =	strace s4  }
0x93: {  	s4 =	sld [smem:$0x3FFC];
	_ =	sdelay $0x3  }
0x94: {  	_ =	strace s4  }
0x95: {  	s4 =	sld [smem:$0x3FFD];
	_ =	sdelay $0x3  }
0x96: {  	_ =	strace s4  }
0x97: {  	s6 =	simm.s32 $0x1B8B;
	_ =	strace $0x8FFFFFFF  }
0x98: {  	_ =	swait.ge [sflag:s6], $0x1  }
0x99: {  	s7 =	simm.s32 $0x1B8E;
	s8 =	simm.s32 $0x9;
	[sflag:s6] =	ssyncset.done $0x0  }
0x9a: {  	s5 =	simm.s32 $0x10;
	s9 =	simm.s32 $0xA;
	[sflag:s6] =	ssyncadd.s32 $0xFFFFFFFF  }
0x9b: {  	s10 =	simm.s32 $0x90;
	s11 =	simm.s32 $0xB;
	[smem:$0x3FD2] =	sst s7  }
0x9c: {  	s12 =	simm.s32 $0x110;
	s13 =	simm.s32 $0x0;
	_ =	strace $0x80000046  }
0x9d: {  	[smem:s5], [sflag:s8] =	dma.local [hbm:s31], $0x10  }
0x9e: {  	[smem:s10], [sflag:s9] =	dma.local [hbm:s2], $0x10  }
0x9f: {  	[smem:s12], [sflag:s11] =	dma.local [hbm:s3], $0x20  }
0xa0: {  	[smem:$0x210] =	sst s13  }
0xa1: {  	[smem:$0x211] =	sst s13  }
0xa2: {  	[smem:$0x212] =	sst s13  }
0xa3: {  	_ =	swait.ge [sflag:s8], $0x10  }
0xa4: {  	[sflag:s8] =	ssyncset.done $0x0  }
0xa5: {  	[sflag:s8] =	ssyncadd.s32 $0xFFFFFFF0;
	_ =	sdelay $0x2  }
0xa6: {  	_ =	swait.ge [sflag:s9], $0x10  }
0xa7: {  	[sflag:s9] =	ssyncset.done $0x0  }
0xa8: {  	[sflag:s9] =	ssyncadd.s32 $0xFFFFFFF0;
	_ =	sdelay $0x2  }
0xa9: {  	_ =	swait.ge [sflag:s11], $0x20  }
0xaa: {  	[sflag:s11] =	ssyncset.done $0x0  }
0xab: {  	[sflag:s11] =	ssyncadd.s32 $0xFFFFFFE0  }
0xac: {  	s14 =	sld [smem:$0x190];
	_ =	sdelay $0x1  }
0xad: {  	s2 =	sld [smem:$0x110]  }
0xae: {  	s15 =	sld [smem:$0x90]  }
0xaf: {  	s1 =	sld [smem:s14+$0x10];
	_ =	sdelay $0x1  }
0xb0: {  	s16 =	sld [smem:s2+$0x210];
	_ =	sdelay $0x1  }
0xb1: {  	s1 =	smul.f32 s1, s15;
	_ =	sdelay $0x1  }
0xb2: {  	s1 =	sadd.f32 s1, s16  }
0xb3: {  	s2 =	sadd.s32 $0x210, s2  }
0xb4: {  	[smem:s2] =	sst s1  }
0xb5: {  	s1 =	sld [smem:$0x191];
	_ =	sdelay $0x1  }
0xb6: {  	s2 =	sld [smem:$0x111]  }
0xb7: {  	s17 =	sld [smem:$0x91]  }
0xb8: {  	s1 =	sld [smem:s1+$0x10];
	_ =	sdelay $0x1  }
0xb9: {  	s18 =	sld [smem:s2+$0x210];
	_ =	sdelay $0x1  }
0xba: {  	s1 =	smul.f32 s1, s17;
	_ =	sdelay $0x1  }
0xbb: {  	s1 =	sadd.f32 s1, s18  }
0xbc: {  	s2 =	sadd.s32 $0x210, s2  }
0xbd: {  	[smem:s2] =	sst s1  }
0xbe: {  	s1 =	sld [smem:$0x192];
	_ =	sdelay $0x1  }
0xbf: {  	s2 =	sld [smem:$0x112]  }
0xc0: {  	s19 =	sld [smem:$0x92]  }
0xc1: {  	s1 =	sld [smem:s1+$0x10];
	_ =	sdelay $0x1  }
0xc2: {  	s20 =	sld [smem:s2+$0x210];
	_ =	sdelay $0x1  }
0xc3: {  	s1 =	smul.f32 s1, s19;
	_ =	sdelay $0x1  }
0xc4: {  	s1 =	sadd.f32 s1, s20  }
0xc5: {  	s2 =	sadd.s32 $0x210, s2  }
0xc6: {  	[smem:s2] =	sst s1  }
0xc7: {  	s1 =	sld [smem:$0x193];
	_ =	sdelay $0x1  }
0xc8: {  	s2 =	sld [smem:$0x113]  }
0xc9: {  	s21 =	sld [smem:$0x93]  }
0xca: {  	s1 =	sld [smem:s1+$0x10];
	_ =	sdelay $0x1  }
0xcb: {  	s22 =	sld [smem:s2+$0x210];
	_ =	sdelay $0x1  }
0xcc: {  	s1 =	smul.f32 s1, s21;
	_ =	sdelay $0x1  }
0xcd: {  	s1 =	sadd.f32 s1, s22  }
0xce: {  	s2 =	sadd.s32 $0x210, s2  }
0xcf: {  	[smem:s2] =	sst s1  }
0xd0: {  	s1 =	sld [smem:$0x194];
	_ =	sdelay $0x1  }
0xd1: {  	s2 =	sld [smem:$0x114]  }
0xd2: {  	s23 =	sld [smem:$0x94]  }
0xd3: {  	s1 =	sld [smem:s1+$0x10];
	_ =	sdelay $0x1  }
0xd4: {  	s24 =	sld [smem:s2+$0x210];
	_ =	sdelay $0x1  }
0xd5: {  	s1 =	smul.f32 s1, s23;
	_ =	sdelay $0x1  }
0xd6: {  	s1 =	sadd.f32 s1, s24  }
0xd7: {  	s2 =	sadd.s32 $0x210, s2  }
0xd8: {  	s25 =	simm.s32 $0x210;
	s26 =	simm.s32 $0xC;
	[smem:s2] =	sst s1  }
0xd9: {  	[hbm:s0], [sflag:s26] =	dma.local [smem:s25], $0x10  }
0xda: {  	_ =	swait.ge [sflag:s26], $0x10  }
0xdb: {  	[sflag:s26] =	ssyncset.done $0x0  }
0xdc: {  	[sflag:s26] =	ssyncadd.s32 $0xFFFFFFF0  }
0xdd: {  	_ =	strace $0x90000046  }
0xde: {  	_ =	sfence  }
0xdf: {  	s28 =	sld [smem:$0x0];
	_ =	sdelay $0x1  }
0xe0: {  	s29 =	srdreg.scid  }
0xe1: {  	s30 =	sshll.u32 s29, $0xD;
	s31 =	sshrl.u32 s29, $0x2  }
0xe2: {  	s1 =	sand.u32 $0x1, s29;
	s2 =	sand.u32 $0x4000, s30;
	s0 =	sadd.s32 s31, s28  }
0xe3: {  	s1 =	sor.u32 s2, s1;
	s0 =	sshll.u32 s0, $0x11  }
0xe4: {  	s0 =	sor.u32 s0, s1  }
0xe5: {  	s0 =	sadd.s32 $0x8F2B, s0;
	(pc) =	sbr.abs _section_cstart, $3  }
0xe6: {  	[sflag:s0] =	ssyncadd.remote.s32 $0x1  }
0xe7: {  	_ =	strace $0x9FFFFFFF  }
0xe8: {  	(tm) =	ssettm $0x7FFFFFFF  }
0xe9: {  	_ =	shalt  }

</sc_bundles>
